<compile_context>
chip_gen: v7x
topology: tpu7x:2x2x1
jax: 0.10.2.dev20260603
libtpu: 0.0.44.dev20260713+nightly
codegen_flags: <defaults>
</compile_context>

<pallas_src>
import functools

import jax
import jax.numpy as jnp
from jax import lax
from jax.experimental import pallas as pl
from jax.experimental.pallas import tpu as pltpu
from jax.experimental.pallas import tpu_sc as plsc

VOCAB = 21
D = 128
VP = 32
B = 4096
L = 500
NLANES = 16
NW = 32
COLS_PER_W = B // NW
GROUPS = COLS_PER_W // NLANES

_mesh = plsc.VectorSubcoreMesh(core_axis_name="c", subcore_axis_name="s")


@functools.partial(
    pl.kernel,
    out_type=jax.ShapeDtypeStruct((B, VP), jnp.float32),
    mesh=_mesh,
    scratch_types=[
        pltpu.VMEM((L, COLS_PER_W), jnp.int32),
        pltpu.VMEM((COLS_PER_W, VP), jnp.float32),
    ],
    compiler_params=pltpu.CompilerParams(
        needs_layout_passes=False,
        use_tc_tiling_on_sc=False,
    ),
)
def _sc_hist(idxt_hbm, cnt_hbm, idx_v, cnt_v):
    wid = lax.axis_index("s") * 2 + lax.axis_index("c")
    base = wid * COLS_PER_W
    pltpu.sync_copy(idxt_hbm.at[:, pl.ds(base, COLS_PER_W)], idx_v)

    zf = jnp.zeros((NLANES,), jnp.float32)

    @pl.loop(0, COLS_PER_W)
    def _zero(c):
        cnt_v[c, pl.ds(0, NLANES)] = zf
        cnt_v[c, pl.ds(NLANES, NLANES)] = zf

    iota16 = lax.iota(jnp.int32, NLANES)
    ones = jnp.ones((NLANES,), jnp.float32)

    for g in range(GROUPS):
        cloc = iota16 + (g * NLANES)

        @plsc.parallel_loop(0, L, unroll=8)
        def _acc(l, g=g, cloc=cloc):
            ids = idx_v[l, pl.ds(g * NLANES, NLANES)]
            plsc.addupdate_scatter(cnt_v, [cloc, ids], ones)

    pltpu.sync_copy(cnt_v, cnt_hbm.at[pl.ds(base, COLS_PER_W)])


def _mm_body(cnt_ref, tab_ref, out_ref):
    out_ref[...] = lax.dot_general(
        cnt_ref[...], tab_ref[...],
        (((1,), (0,)), ((), ())),
        preferred_element_type=jnp.float32,
    ) * (1.0 / L)


_MM_BLK = 1024


def _tc_matmul(counts, tablep):
    return pl.pallas_call(
        _mm_body,
        grid=(B // _MM_BLK,),
        in_specs=[
            pl.BlockSpec((_MM_BLK, VP), lambda i: (i, 0)),
            pl.BlockSpec((VP, D), lambda i: (0, 0)),
        ],
        out_specs=pl.BlockSpec((_MM_BLK, D), lambda i: (i, 0)),
        out_shape=jax.ShapeDtypeStruct((B, D), jnp.float32),
    )(counts, tablep)


def kernel(indices, table):
    indices = indices.astype(jnp.int32)
    table = table.astype(jnp.float32)
    counts = _sc_hist(indices.T)
    return jnp.pad(counts, ((0, 0), (0, D - VP)))

# --- scband reference (transcript-rebuilt; emitter-appended) ---
"""Pipeline reference for scband-simple-sequence-encoder-35622458753368 (READ-ONLY COPY).

The authoritative reference and input builder live on the scoring server;
editing this copy changes nothing except your own understanding.
"""

import jax, jax.numpy as jnp
import numpy as np

VOCAB = 21  # 20 amino acids + 1 padding index
EMBED_DIM = 128
BATCH = 4096
MAX_LEN = 500
PAD_IDX = 20

def setup_inputs(seed: int = 0) -> dict:
    key = jax.random.key(seed)
    k1, k2 = jax.random.split(key)
    # pre-encoded sequences: int indices in [0, VOCAB)
    indices = jax.random.randint(k1, (BATCH, MAX_LEN), 0, VOCAB, dtype=jnp.int64)
    # embedding table; padding_idx row is zeros (matches nn.Embedding padding_idx init)
    table = jax.random.normal(k2, (VOCAB, EMBED_DIM), dtype=jnp.float32)
    table = table.at[PAD_IDX].set(0.0)
    return {"indices": indices, "table": table}

def reference(indices, table):
    # embedding lookup (gather) followed by mean over sequence dim
    emb = jnp.take(table, indices, axis=0)        # [B, L, D]
    return emb.mean(axis=1)                       # [B, D]

if __name__ == "__main__":
    import jax
    _d = setup_inputs()
    print(jax.jit(kernel)(*tuple(_d.values())))

</pallas_src>

<mosaic_0001>
#map = affine_map<(d0, d1) -> (0, 0)>
module attributes {stable_mosaic.version = 14 : i64} {
  func.func @_sc_hist(%arg0: i32, %arg1: i32, %arg2: memref<500x4096xi32, #tpu.memory_space<hbm>>, %arg3: memref<4096x32xf32, #tpu.memory_space<hbm>>, %arg4: memref<500x128xi32, #tpu.memory_space<vmem>>, %arg5: memref<128x32xf32, #tpu.memory_space<vmem>>) attributes {dimension_semantics = [#tpu.dimension_semantics<core_parallel>, #tpu.dimension_semantics<subcore_parallel>], iteration_bounds = array<i64: 2, 16>, scalar_prefetch = 0 : i64, scratch_operands = 2 : i64, tpu.core_type = #tpu.core_type<sc_vector_subcore>, window_params = [{transform_indices = #map}, {transform_indices = #map}]} {
    %mul3A = arith.constant 2 : i32
    %mul3A_0 = arith.muli %arg1, %mul3A : i32
    %add3A = arith.addi %mul3A_0, %arg0 : i32
    %mul3A_1 = arith.constant 128 : i32
    %mul3A_2 = arith.muli %add3A, %mul3A_1 : i32
    "tpu.region"() ({
      %run_scoped3A = tpu.sem_alloc : memref<!tpu.dma_semaphore, #tpu.memory_space<semaphore_mem>>
      %dma_start3A = arith.constant 0 : i32
      %dma_start3A_57 = tpu.memref_slice %arg2[%dma_start3A, %mul3A_2] : memref<500x4096xi32, #tpu.memory_space<hbm>> -> memref<500x128xi32, #tpu.memory_space<hbm>>
      %dma_start3A_58 = arith.constant 0 : i32
      %dma_start3A_59 = tpu.memref_slice %arg2[%dma_start3A_58, %mul3A_2] : memref<500x4096xi32, #tpu.memory_space<hbm>> -> memref<500x128xi32, #tpu.memory_space<hbm>>
      tpu.enqueue_dma source(%dma_start3A_59 : memref<500x128xi32, #tpu.memory_space<hbm>>) target(%arg4 : memref<500x128xi32, #tpu.memory_space<vmem>>) target_semaphore(%run_scoped3A : memref<!tpu.dma_semaphore, #tpu.memory_space<semaphore_mem>>)
      %dma_wait3A = arith.constant 0 : i32
      %dma_wait3A_60 = tpu.memref_slice %arg2[%dma_wait3A, %mul3A_2] : memref<500x4096xi32, #tpu.memory_space<hbm>> -> memref<500x128xi32, #tpu.memory_space<hbm>>
      %dma_wait3A_61 = arith.constant 0 : i32
      %dma_wait3A_62 = tpu.memref_slice %arg2[%dma_wait3A_61, %mul3A_2] : memref<500x4096xi32, #tpu.memory_space<hbm>> -> memref<500x128xi32, #tpu.memory_space<hbm>>
      tpu.wait_dma2 semaphore(%run_scoped3A : memref<!tpu.dma_semaphore, #tpu.memory_space<semaphore_mem>>) src(%dma_wait3A_62 : memref<500x128xi32, #tpu.memory_space<hbm>>) dst(%arg4 : memref<500x128xi32, #tpu.memory_space<vmem>>)
      tpu.yield
    }) : () -> ()
    %broadcast_in_dim3A = arith.constant 0.000000e+00 : f32
    %broadcast_in_dim3A_3 = vector.broadcast %broadcast_in_dim3A : f32 to vector<16xf32>
    %scan3A = arith.constant 0 : i32
    %scan3A_4 = arith.constant 128 : i32
    %scan3A_5 = arith.addi %scan3A, %scan3A_4 : i32
    %scan3A_6 = arith.constant 1 : i32
    scf.for %scan3A_57 = %scan3A to %scan3A_5 step %scan3A_6  : i32 {
      %mul3A_58 = arith.constant 1 : i32
      %mul3A_59 = arith.muli %scan3A_57, %mul3A_58 : i32
      %add3A_60 = arith.constant 0 : i32
      %add3A_61 = arith.addi %add3A_60, %mul3A_59 : i32
      %swap3A = arith.index_cast %add3A_61 : i32 to index
      %swap3A_62 = arith.constant 0 : index
      %swap3A_63 = tpu.vector_load %arg5[%swap3A, %swap3A_62] {strides = array<i32>} : memref<128x32xf32, #tpu.memory_space<vmem>>, vector<16xf32>,
      tpu.vector_store %arg5[%swap3A, %swap3A_62], %broadcast_in_dim3A_3 {strides = array<i32>} : memref<128x32xf32, #tpu.memory_space<vmem>>, vector<16xf32>,
      %swap3A_64 = arith.index_cast %add3A_61 : i32 to index
      %swap3A_65 = arith.constant 16 : index
      %swap3A_66 = tpu.vector_load %arg5[%swap3A_64, %swap3A_65] {strides = array<i32>} : memref<128x32xf32, #tpu.memory_space<vmem>>, vector<16xf32>,
      tpu.vector_store %arg5[%swap3A_64, %swap3A_65], %broadcast_in_dim3A_3 {strides = array<i32>} : memref<128x32xf32, #tpu.memory_space<vmem>>, vector<16xf32>,
    }
    %scan3A_7 = arith.constant 128 : i32
    %iota3A = tpu.iota {dimensions = array<i32: 0>} : vector<16xi32>
    %broadcast_in_dim3A_8 = arith.constant 1.000000e+00 : f32
    %broadcast_in_dim3A_9 = vector.broadcast %broadcast_in_dim3A_8 : f32 to vector<16xf32>
    %add3A_10 = arith.constant 0 : i32
    %add3A_11 = vector.broadcast %add3A_10 : i32 to vector<16xi32>
    %add3A_12 = arith.addi %iota3A, %add3A_11 : vector<16xi32>
    %parallel_loop3A = arith.constant 0 : i32
    %parallel_loop3A_13 = arith.constant 500 : i32
    %parallel_loop3A_14 = arith.constant 1 : i32
    scf.for %parallel_loop3A_57 = %parallel_loop3A to %parallel_loop3A_13 step %parallel_loop3A_14  : i32 {
      %parallel_loop3A_58 = arith.index_cast %parallel_loop3A_57 : i32 to index
      %parallel_loop3A_59 = arith.constant 0 : index
      %parallel_loop3A_60 = tpu.vector_load %arg4[%parallel_loop3A_58, %parallel_loop3A_59] {strides = array<i32>} : memref<500x128xi32, #tpu.memory_space<vmem>>, vector<16xi32>,
      tpu.vector_store_idx %arg5[%add3A_12, %parallel_loop3A_60], %broadcast_in_dim3A_9 {add = true} : memref<128x32xf32, #tpu.memory_space<vmem>>[vector<16xi32>, vector<16xi32>], vector<16xf32>,
    } {sc.loop_unroll_factor = 8 : i64, sc.parallel_access}
    %add3A_15 = arith.constant 16 : i32
    %add3A_16 = vector.broadcast %add3A_15 : i32 to vector<16xi32>
    %add3A_17 = arith.addi %iota3A, %add3A_16 : vector<16xi32>
    %parallel_loop3A_18 = arith.constant 0 : i32
    %parallel_loop3A_19 = arith.constant 500 : i32
    %parallel_loop3A_20 = arith.constant 1 : i32
    scf.for %parallel_loop3A_57 = %parallel_loop3A_18 to %parallel_loop3A_19 step %parallel_loop3A_20  : i32 {
      %parallel_loop3A_58 = arith.index_cast %parallel_loop3A_57 : i32 to index
      %parallel_loop3A_59 = arith.constant 16 : index
      %parallel_loop3A_60 = tpu.vector_load %arg4[%parallel_loop3A_58, %parallel_loop3A_59] {strides = array<i32>} : memref<500x128xi32, #tpu.memory_space<vmem>>, vector<16xi32>,
      tpu.vector_store_idx %arg5[%add3A_17, %parallel_loop3A_60], %broadcast_in_dim3A_9 {add = true} : memref<128x32xf32, #tpu.memory_space<vmem>>[vector<16xi32>, vector<16xi32>], vector<16xf32>,
    } {sc.loop_unroll_factor = 8 : i64, sc.parallel_access}
    %add3A_21 = arith.constant 32 : i32
    %add3A_22 = vector.broadcast %add3A_21 : i32 to vector<16xi32>
    %add3A_23 = arith.addi %iota3A, %add3A_22 : vector<16xi32>
    %parallel_loop3A_24 = arith.constant 0 : i32
    %parallel_loop3A_25 = arith.constant 500 : i32
    %parallel_loop3A_26 = arith.constant 1 : i32
    scf.for %parallel_loop3A_57 = %parallel_loop3A_24 to %parallel_loop3A_25 step %parallel_loop3A_26  : i32 {
      %parallel_loop3A_58 = arith.index_cast %parallel_loop3A_57 : i32 to index
      %parallel_loop3A_59 = arith.constant 32 : index
      %parallel_loop3A_60 = tpu.vector_load %arg4[%parallel_loop3A_58, %parallel_loop3A_59] {strides = array<i32>} : memref<500x128xi32, #tpu.memory_space<vmem>>, vector<16xi32>,
      tpu.vector_store_idx %arg5[%add3A_23, %parallel_loop3A_60], %broadcast_in_dim3A_9 {add = true} : memref<128x32xf32, #tpu.memory_space<vmem>>[vector<16xi32>, vector<16xi32>], vector<16xf32>,
    } {sc.loop_unroll_factor = 8 : i64, sc.parallel_access}
    %add3A_27 = arith.constant 48 : i32
    %add3A_28 = vector.broadcast %add3A_27 : i32 to vector<16xi32>
    %add3A_29 = arith.addi %iota3A, %add3A_28 : vector<16xi32>
    %parallel_loop3A_30 = arith.constant 0 : i32
    %parallel_loop3A_31 = arith.constant 500 : i32
    %parallel_loop3A_32 = arith.constant 1 : i32
    scf.for %parallel_loop3A_57 = %parallel_loop3A_30 to %parallel_loop3A_31 step %parallel_loop3A_32  : i32 {
      %parallel_loop3A_58 = arith.index_cast %parallel_loop3A_57 : i32 to index
      %parallel_loop3A_59 = arith.constant 48 : index
      %parallel_loop3A_60 = tpu.vector_load %arg4[%parallel_loop3A_58, %parallel_loop3A_59] {strides = array<i32>} : memref<500x128xi32, #tpu.memory_space<vmem>>, vector<16xi32>,
      tpu.vector_store_idx %arg5[%add3A_29, %parallel_loop3A_60], %broadcast_in_dim3A_9 {add = true} : memref<128x32xf32, #tpu.memory_space<vmem>>[vector<16xi32>, vector<16xi32>], vector<16xf32>,
    } {sc.loop_unroll_factor = 8 : i64, sc.parallel_access}
    %add3A_33 = arith.constant 64 : i32
    %add3A_34 = vector.broadcast %add3A_33 : i32 to vector<16xi32>
    %add3A_35 = arith.addi %iota3A, %add3A_34 : vector<16xi32>
    %parallel_loop3A_36 = arith.constant 0 : i32
    %parallel_loop3A_37 = arith.constant 500 : i32
    %parallel_loop3A_38 = arith.constant 1 : i32
    scf.for %parallel_loop3A_57 = %parallel_loop3A_36 to %parallel_loop3A_37 step %parallel_loop3A_38  : i32 {
      %parallel_loop3A_58 = arith.index_cast %parallel_loop3A_57 : i32 to index
      %parallel_loop3A_59 = arith.constant 64 : index
      %parallel_loop3A_60 = tpu.vector_load %arg4[%parallel_loop3A_58, %parallel_loop3A_59] {strides = array<i32>} : memref<500x128xi32, #tpu.memory_space<vmem>>, vector<16xi32>,
      tpu.vector_store_idx %arg5[%add3A_35, %parallel_loop3A_60], %broadcast_in_dim3A_9 {add = true} : memref<128x32xf32, #tpu.memory_space<vmem>>[vector<16xi32>, vector<16xi32>], vector<16xf32>,
    } {sc.loop_unroll_factor = 8 : i64, sc.parallel_access}
    %add3A_39 = arith.constant 80 : i32
    %add3A_40 = vector.broadcast %add3A_39 : i32 to vector<16xi32>
    %add3A_41 = arith.addi %iota3A, %add3A_40 : vector<16xi32>
    %parallel_loop3A_42 = arith.constant 0 : i32
    %parallel_loop3A_43 = arith.constant 500 : i32
    %parallel_loop3A_44 = arith.constant 1 : i32
    scf.for %parallel_loop3A_57 = %parallel_loop3A_42 to %parallel_loop3A_43 step %parallel_loop3A_44  : i32 {
      %parallel_loop3A_58 = arith.index_cast %parallel_loop3A_57 : i32 to index
      %parallel_loop3A_59 = arith.constant 80 : index
      %parallel_loop3A_60 = tpu.vector_load %arg4[%parallel_loop3A_58, %parallel_loop3A_59] {strides = array<i32>} : memref<500x128xi32, #tpu.memory_space<vmem>>, vector<16xi32>,
      tpu.vector_store_idx %arg5[%add3A_41, %parallel_loop3A_60], %broadcast_in_dim3A_9 {add = true} : memref<128x32xf32, #tpu.memory_space<vmem>>[vector<16xi32>, vector<16xi32>], vector<16xf32>,
    } {sc.loop_unroll_factor = 8 : i64, sc.parallel_access}
    %add3A_45 = arith.constant 96 : i32
    %add3A_46 = vector.broadcast %add3A_45 : i32 to vector<16xi32>
    %add3A_47 = arith.addi %iota3A, %add3A_46 : vector<16xi32>
    %parallel_loop3A_48 = arith.constant 0 : i32
    %parallel_loop3A_49 = arith.constant 500 : i32
    %parallel_loop3A_50 = arith.constant 1 : i32
    scf.for %parallel_loop3A_57 = %parallel_loop3A_48 to %parallel_loop3A_49 step %parallel_loop3A_50  : i32 {
      %parallel_loop3A_58 = arith.index_cast %parallel_loop3A_57 : i32 to index
      %parallel_loop3A_59 = arith.constant 96 : index
      %parallel_loop3A_60 = tpu.vector_load %arg4[%parallel_loop3A_58, %parallel_loop3A_59] {strides = array<i32>} : memref<500x128xi32, #tpu.memory_space<vmem>>, vector<16xi32>,
      tpu.vector_store_idx %arg5[%add3A_47, %parallel_loop3A_60], %broadcast_in_dim3A_9 {add = true} : memref<128x32xf32, #tpu.memory_space<vmem>>[vector<16xi32>, vector<16xi32>], vector<16xf32>,
    } {sc.loop_unroll_factor = 8 : i64, sc.parallel_access}
    %add3A_51 = arith.constant 112 : i32
    %add3A_52 = vector.broadcast %add3A_51 : i32 to vector<16xi32>
    %add3A_53 = arith.addi %iota3A, %add3A_52 : vector<16xi32>
    %parallel_loop3A_54 = arith.constant 0 : i32
    %parallel_loop3A_55 = arith.constant 500 : i32
    %parallel_loop3A_56 = arith.constant 1 : i32
    scf.for %parallel_loop3A_57 = %parallel_loop3A_54 to %parallel_loop3A_55 step %parallel_loop3A_56  : i32 {
      %parallel_loop3A_58 = arith.index_cast %parallel_loop3A_57 : i32 to index
      %parallel_loop3A_59 = arith.constant 112 : index
      %parallel_loop3A_60 = tpu.vector_load %arg4[%parallel_loop3A_58, %parallel_loop3A_59] {strides = array<i32>} : memref<500x128xi32, #tpu.memory_space<vmem>>, vector<16xi32>,
      tpu.vector_store_idx %arg5[%add3A_53, %parallel_loop3A_60], %broadcast_in_dim3A_9 {add = true} : memref<128x32xf32, #tpu.memory_space<vmem>>[vector<16xi32>, vector<16xi32>], vector<16xf32>,
    } {sc.loop_unroll_factor = 8 : i64, sc.parallel_access}
    "tpu.region"() ({
      %run_scoped3A = tpu.sem_alloc : memref<!tpu.dma_semaphore, #tpu.memory_space<semaphore_mem>>
      %dma_start3A = arith.constant 0 : i32
      %dma_start3A_57 = tpu.memref_slice %arg3[%mul3A_2, %dma_start3A] : memref<4096x32xf32, #tpu.memory_space<hbm>> -> memref<128x32xf32, #tpu.memory_space<hbm>>
      %dma_start3A_58 = arith.constant 0 : i32
      %dma_start3A_59 = tpu.memref_slice %arg3[%mul3A_2, %dma_start3A_58] : memref<4096x32xf32, #tpu.memory_space<hbm>> -> memref<128x32xf32, #tpu.memory_space<hbm>>
      tpu.enqueue_dma source(%arg5 : memref<128x32xf32, #tpu.memory_space<vmem>>) target(%dma_start3A_59 : memref<128x32xf32, #tpu.memory_space<hbm>>) target_semaphore(%run_scoped3A : memref<!tpu.dma_semaphore, #tpu.memory_space<semaphore_mem>>)
      %dma_wait3A = arith.constant 0 : i32
      %dma_wait3A_60 = tpu.memref_slice %arg3[%mul3A_2, %dma_wait3A] : memref<4096x32xf32, #tpu.memory_space<hbm>> -> memref<128x32xf32, #tpu.memory_space<hbm>>
      %dma_wait3A_61 = arith.constant 0 : i32
      %dma_wait3A_62 = tpu.memref_slice %arg3[%mul3A_2, %dma_wait3A_61] : memref<4096x32xf32, #tpu.memory_space<hbm>> -> memref<128x32xf32, #tpu.memory_space<hbm>>
      tpu.wait_dma2 semaphore(%run_scoped3A : memref<!tpu.dma_semaphore, #tpu.memory_space<semaphore_mem>>) src(%arg5 : memref<128x32xf32, #tpu.memory_space<vmem>>) dst(%dma_wait3A_62 : memref<128x32xf32, #tpu.memory_space<hbm>>)
      tpu.yield
    }) : () -> ()
    return
  }
}

</mosaic_0001>

<sc_bundles>
// kernel: kernel.3.cloned.1.call-start
scs
__scs_entry_jumppad:
0x0: {  	(pc) =	sbr.rel $0x88, $3  }
0x1: {  	(tag) =	ssettag $0x0;
	lr =	simm.s32 $0x1  }
0x2: {  	[smem:$0x3FA0] =	sst lr;
	_ =	strace $0xD0000000  }
0x3: {  	_ = 	snop  }
0x4: {  	_ = 	snop  }
0x5: {  	_ = 	snop  }
0x6: {  	_ = 	snop  }
0x7: {  	_ = 	snop  }
__scs_overlays_trampoline_lowered:
0x8: {  	[smem:$0x3FAF] =	sst s0  }
0x9: {  	[smem:$0x3FB0] =	sst s1  }
0xa: {  	[smem:$0x3FB1] =	sst s2  }
0xb: {  	[smem:$0x3FB2] =	sst s3  }
0xc: {  	[smem:$0x3FB3] =	sst s4  }
0xd: {  	[smem:$0x3FB4] =	sst s5  }
0xe: {  	[smem:$0x3FB5] =	sst s6  }
0xf: {  	[smem:$0x3FB6] =	sst s7  }
0x10: {  	[smem:$0x3FB7] =	sst s8  }
0x11: {  	[smem:$0x3FB8] =	sst s9;
	s0 =	simm.s32 @!p0 $0x0  }
0x12: {  	s1 =	sld [smem:$0x3F9E];
	s0 =	simm.s32 @p0 $0x1  }
0x13: {  	[smem:$0x3FB9] =	sst s0;
	s0 =	simm.s32 @!p1 $0x0  }
0x14: {  	s2 =	sld [smem:$0x3F9D];
	s0 =	simm.s32 @p1 $0x1  }
0x15: {  	[smem:$0x3FBA] =	sst s0;
	s0 =	simm.s32 @!p2 $0x0  }
0x16: {  	s3 =	sld [smem:$0x3FDB];
	s0 =	simm.s32 @p2 $0x1  }
0x17: {  	s4 =	simm.s32 $0x1BF5;
	[smem:$0x3FBC] =	sst s0  }
0x18: {  	s0 =	sld [smem:$0x3F9F];
	_ =	swait.ge [sflag:s4], $0x0  }
0x19: {  	s7 =	sld [smem:$0x3FA0]  }
0x1a: {  	s8 =	sadd.s32 $0xFFFFE003, lr  }
0x1b: {  	s9 =	sadd.s32 $0xFFFFFEF7, lr;
	s5 =	simm.s32 $0xFFFFFFFF;
	p2 =	slt.u32 s8, $0xFFFFF086  }
0x1c: {  	p1 =	slt.u32 s9, $0xF7A;
	s5 =	simm.s32 @!p2 $0x0  }
0x1d: {  	s5 =	simm.s32 @p1 $0x1;
	p0 =	seq.s32 s7, s2  }
0x1e: {  	s7 =	smul.u32 @!p0 $0xF7A, s2;
	p2 =	seq.s32 @!p0 s5, $0x0  }
0x1f: {  	s9 =	smul.u32 $0xF7A, s1;
	s8 =	simm.s32 @!p0 $0x1BF5;
	p2 =	por !p2, p0  }
0x20: {  	[sflag:s8] =	ssyncset.s32 @!p0 $0xFFFFF086;
	s6 =	sadd.s32 @!p0 s3, s7;
	s7 =	simm.s32 @!p0 $0x108  }
0x21: {  	s3 =	sadd.s32 s3, s9;
	s6 =	sadd.s32 @!p0 $0x88, s6;
	s7 =	simm.s32 @p2 $0x1082  }
0x22: {  	[simem:s7], [sflag:s8] =	dma.local @!p0 [hbm:s6], $0xF7A  }
0x23: {  	s9 =	sor.u32 $0xD0000000, s2;
	s6 =	simm.s32 $0x108;
	_ =	swait.ge @!p0 [sflag:s8], $0x0  }
0x24: {  	s3 =	sadd.s32 $0x88, s3;
	s6 =	simm.s32 @!p1 $0x1082;
	[sflag:s4] =	ssyncset.s32 $0xFFFFF086  }
0x25: {  	[simem:s6], [sflag:s4] =	dma.local [hbm:s3], $0xF7A  }
0x26: {  	[smem:$0x3FA0] =	sst s1;
	(tag) =	ssettag s2;
	_ =	strace s9  }
0x27: {  	s1 =	sld [smem:$0x3FB0]  }
0x28: {  	s2 =	sld [smem:$0x3FB1]  }
0x29: {  	s4 =	sld [smem:$0x3FB3]  }
0x2a: {  	p0 =	seq.s32 s5, $0x0;
	s5 =	sld [smem:$0x3FB4]  }
0x2b: {  	s6 =	sld [smem:$0x3FB5]  }
0x2c: {  	s7 =	sld [smem:$0x3FB6]  }
0x2d: {  	s3 =	simm.s32 $0x108;
	s8 =	sld [smem:$0x3FB7]  }
0x2e: {  	s3 =	simm.s32 @!p0 $0x1082;
	s9 =	sld [smem:$0x3FB8]  }
0x2f: {  	lr =	sadd.s32 s0, s3;
	s0 =	sld [smem:$0x3FAF]  }
0x30: {  	s3 =	sld [smem:$0x3FB2]  }
0x31: {  	[smem:$0x3FBB] =	sst s10  }
0x32: {  	s10 =	sld [smem:$0x3FB9];
	_ =	sdelay $0x3  }
0x33: {  	p0 =	seq.s32 s10, $0x1;
	s10 =	sld [smem:$0x3FBB];
	_ =	sdelay $0x3  }
0x34: {  	[smem:$0x3FBB] =	sst s10  }
0x35: {  	s10 =	sld [smem:$0x3FBA];
	_ =	sdelay $0x3  }
0x36: {  	p1 =	seq.s32 s10, $0x1;
	s10 =	sld [smem:$0x3FBB];
	_ =	sdelay $0x3  }
0x37: {  	[smem:$0x3FBB] =	sst s10  }
0x38: {  	s10 =	sld [smem:$0x3FBC]  }
0x39: {  	_ = 	snop;
	(pc) =	sbr.ind lr, $3  }
0x3a: {  	_ = 	snop  }
0x3b: {  	_ = 	snop  }
0x3c: {  	p2 =	seq.s32 s10, $0x1;
	s10 =	sld [smem:$0x3FBB]  }
0x3d: {  	_ =	shalt  }
0x3e: {  	_ =	shalt  }
0x3f: {  	_ =	shalt  }
0x40: {  	_ =	shalt  }
0x41: {  	_ =	shalt  }
0x42: {  	_ =	shalt  }
0x43: {  	_ =	shalt  }
0x44: {  	_ =	shalt  }
0x45: {  	_ =	shalt  }
0x46: {  	_ =	shalt  }
0x47: {  	_ =	shalt  }
0x48: {  	_ =	shalt  }
0x49: {  	_ =	shalt  }
0x4a: {  	_ =	shalt  }
0x4b: {  	_ =	shalt  }
0x4c: {  	_ =	shalt  }
0x4d: {  	_ =	shalt  }
0x4e: {  	_ =	shalt  }
0x4f: {  	_ =	shalt  }
0x50: {  	_ =	shalt  }
0x51: {  	_ =	shalt  }
0x52: {  	_ =	shalt  }
0x53: {  	_ =	shalt  }
0x54: {  	_ =	shalt  }
0x55: {  	_ =	shalt  }
0x56: {  	_ =	shalt  }
0x57: {  	_ =	shalt  }
0x58: {  	_ =	shalt  }
0x59: {  	_ =	shalt  }
0x5a: {  	_ =	shalt  }
0x5b: {  	_ =	shalt  }
0x5c: {  	_ =	shalt  }
0x5d: {  	_ =	shalt  }
0x5e: {  	_ =	shalt  }
0x5f: {  	_ =	shalt  }
0x60: {  	_ =	shalt  }
0x61: {  	_ =	shalt  }
0x62: {  	_ =	shalt  }
0x63: {  	_ =	shalt  }
0x64: {  	_ =	shalt  }
0x65: {  	_ =	shalt  }
0x66: {  	_ =	shalt  }
0x67: {  	_ =	shalt  }
0x68: {  	_ =	shalt  }
0x69: {  	_ =	shalt  }
0x6a: {  	_ =	shalt  }
0x6b: {  	_ =	shalt  }
0x6c: {  	_ =	shalt  }
0x6d: {  	_ =	shalt  }
0x6e: {  	_ =	shalt  }
0x6f: {  	_ =	shalt  }
0x70: {  	_ =	shalt  }
0x71: {  	_ =	shalt  }
0x72: {  	_ =	shalt  }
0x73: {  	_ =	shalt  }
0x74: {  	_ =	shalt  }
0x75: {  	_ =	shalt  }
0x76: {  	_ =	shalt  }
0x77: {  	_ =	shalt  }
0x78: {  	_ =	shalt  }
0x79: {  	_ =	shalt  }
0x7a: {  	_ =	shalt  }
0x7b: {  	_ =	shalt  }
0x7c: {  	_ =	shalt  }
0x7d: {  	_ =	shalt  }
0x7e: {  	_ =	shalt  }
0x7f: {  	_ =	shalt  }
0x80: {  	_ =	shalt  }
0x81: {  	_ =	shalt  }
0x82: {  	_ =	shalt  }
0x83: {  	_ =	shalt  }
0x84: {  	_ =	shalt  }
0x85: {  	_ =	shalt  }
0x86: {  	_ =	shalt  }
0x87: {  	_ =	shalt  }
.Lfunc_end0:
.L_simem_size_0:
called_computation_lowered:
.L_overlay_start_0:
0x88: {  	s2 =	sld [smem:$0x3FD9]  }
0x89: {  	s3 =	sld [smem:$0x3FFE];
	_ =	sdelay $0x1  }
0x8a: {  	s1 =	srdreg.scid  }
0x8b: {  	s0 =	sand.u32 $0x1, s1  }
0x8c: {  	s17 =	sshll.u32 s0, $0xA;
	s2 =	sadd.s32 s3, s2  }
0x8d: {  	s2 =	sadd.s32 s2, s17  }
0x8e: {  	[smem:$0x3FC7] =	sst s2  }
0x8f: {  	_ = 	snop  }
0x90: {  	s2 =	sld [smem:$0x3FD0];
	(tm) =	ssettm $0x1  }
0x91: {  	s18 =	sld [smem:$0x3FFB];
	_ =	sdelay $0x3  }
0x92: {  	_ =	strace s18  }
0x93: {  	s3 =	sld [smem:$0x3FFC];
	_ =	sdelay $0x3  }
0x94: {  	_ =	strace s3  }
0x95: {  	s3 =	sld [smem:$0x3FFD];
	_ =	sdelay $0x3  }
0x96: {  	_ =	strace s3  }
0x97: {  	_ =	strace $0x8FFFFFFF  }
0x98: {  	s19 =	sld [smem:$0x3FDB];
	_ =	sdelay $0x1  }
0x99: {  	s4 =	simm.s32 $_scs_section_size  }
0x9a: {  	s5 =	simm.s32 $_size__tile_overlayer_lowered;
	s6 =	simm.s32 $_tile_overlayer_lowered  }
0x9b: {  	s22 =	simm.s32 $0x1BFF;
	s21 =	sshll.u32 s6, $0x1;
	s3 =	sadd.s32 s4, s19  }
0x9c: {  	s7 =	simm.s32 $0x0;
	s20 =	sshll.u32 s5, $0x1;
	s5 =	sadd.s32 s21, s3  }
0x9d: {  	[timem:s7], [sflag:s22] =	dma.local [hbm:s5], s20  }
0x9e: {  	_ =	swait.ge [sflag:s22], s20  }
0x9f: {  	s4 =	ssub.s32 $0x0, s20;
	[sflag:s22] =	ssyncset.done $0x0  }
0xa0: {  	[sflag:s22] =	ssyncadd.s32 s4;
	_ =	sdelay $0x1  }
0xa1: {  	s23 =	simm.s32 $0x1B8B  }
0xa2: {  	_ =	swait.ge [sflag:s23], $0x1  }
0xa3: {  	[sflag:s23] =	ssyncset.done $0x0  }
0xa4: {  	s25 =	simm.s32 $0x1B8E;
	s24 =	sld [smem:$0x3FFE];
	[sflag:s23] =	ssyncadd.s32 $0xFFFFFFFF  }
0xa5: {  	s26 =	simm.s32 $execute0_lowered;
	[smem:$0x3FD2] =	sst s25  }
0xa6: {  	s5 =	sshll.u32 s26, $0x1;
	_ =	strace $0x80000046;
	[dreg:$0x1] =	wrdreg $0xFFFFFFFF  }
0xa7: {  	s28 =	simm.s32 $_size_execute0_lowered;
	s3 =	sadd.s32 s3, s5;
	[dreg:$0x0] =	wrdreg $0x0  }
0xa8: {  	s5 =	sshll.u32 s28, $0x1;
	[dreg:$0x2] =	wrdreg s3  }
0xa9: {  	[dreg:$0x3] =	wrdreg s5  }
0xaa: {  	[dreg:$0x4] =	wrdreg $0xC0  }
0xab: {  	_ =	task [dreg:s7], $0x5FFFF  }
0xac: {  	[dreg:$0x1] =	wrdreg $0xFFFFFFFF  }
0xad: {  	[dreg:$0x0] =	wrdreg $0x60  }
0xae: {  	[dreg:$0x2] =	wrdreg s24  }
0xaf: {  	[dreg:$0x3] =	wrdreg s2  }
0xb0: {  	[dreg:$0x4] =	wrdreg $0x9  }
0xb1: {  	_ =	task.clear_ibuf [dreg:s7], $0x5FFFF;
	_ =	strace $0x90000046  }
0xb2: {  	s29 =	simm.s32 $0x9;
	_ =	strace $0x80000048  }
0xb3: {  	_ =	swait.ge [sflag:s29], $0x1  }
0xb4: {  	[sflag:s29] =	ssyncadd.s32 $0xFFFFFFFF  }
0xb5: {  	_ =	strace $0x90000048  }
0xb6: {  	_ =	sfence  }
0xb7: {  	s30 =	sld [smem:$0x0];
	_ =	sdelay $0x2  }
0xb8: {  	s31 =	sshll.u32 s1, $0xD;
	s1 =	sshrl.u32 s1, $0x2  }
0xb9: {  	s3 =	sand.u32 $0x4000, s31;
	s1 =	sadd.s32 s1, s30  }
0xba: {  	s0 =	sor.u32 s3, s0;
	s1 =	sshll.u32 s1, $0x11  }
0xbb: {  	s0 =	sor.u32 s1, s0  }
0xbc: {  	s0 =	sadd.s32 $0x8F2B, s0  }
0xbd: {  	[sflag:s0] =	ssyncadd.remote.s32 $0x1  }
0xbe: {  	_ =	sfence.sel $0xFFFF  }
0xbf: {  	[dreg:$0x0] =	wrdreg $0xFFFFFFFF;
	(pc) =	sbr.abs _section_cstart, $3  }
0xc0: {  	[dreg:$0x1] =	wrdreg $0xFFFFFFFF  }
0xc1: {  	_ =	task.clear_ibuf [dreg:s7], $0x2FFFF;
	_ =	strace $0x9FFFFFFF  }
0xc2: {  	(tm) =	ssettm $0x7FFFFFFF  }
0xc3: {  	_ =	shalt  }
tec
execute0_lowered:
.L_overlay_start_1:
0x0: {  	(tag) =	ssettag $0x1  }
0x1: {  	s3 =	rddreg [dreg:$0x0]  }
0x2: {  	s4 =	rddreg [dreg:$0x1];
	s2 =	srdreg.scid  }
0x3: {  	s0 =	rddreg [dreg:$0x2];
	s1 =	stileid.u32  }
0x4: {  	s8 =	simm.s32 $0x1;
	s9 =	simm.s32 $0xFA00;
	s10 =	simm.s32 $0x0  }
0x5: {  	v0 =	vlaneseq.u32;
	s5 =	sand.u32 $0x1, s2;
	s2 =	simm.s32 $0x0;
	s6 =	sshll.u32 s1, $0x8  }
0x6: {  	v0 =	vmul.u32 $0x20, v0;
	s7 =	sshll.u32 s5, $0x7;
	[smem:$0x7FF] =	sst s2;
	s5 =	ssub.s32 $0x2, s5  }
0x7: {  	s6 =	sor.u32 s7, s6;
	_ =	strace $0x80000047;
	s31 =	sshrl.u32 s5, $0x1  }
0x8: {  	v1 =	vimm.f32 $0.0e+00;
	v2 =	vimm.f32 $1.000000000e+00;
	v3 =	vor.u32 $0x200, v0;
	s7 =	sshrl.u32 s6, $0x3;
	s6 =	sshll.u32 s6, $0x2;
	s5 =	ssub.s32 s5, s31  }
0x9: {  	v4 =	vor.u32 $0x400, v0;
	v5 =	vor.u32 $0x600, v0;
	v6 =	vor.u32 $0x800, v0;
	s3 =	sadd.s32 s7, s3;
	s4 =	sadd.s32 s4, s6;
	s5 =	smax.u32 s5, $0x1  }
0xa: {  	v7 =	vor.u32 $0xA00, v0;
	v8 =	vor.u32 $0xC00, v0;
	v9 =	vor.u32 $0xE00, v0;
	s6 =	simm.s32 $0x80;
	s7 =	simm.s32 $0x1000;
	s3 =	sadd.s32 $0x400, s3  }
.LBB2_1:
0xb: {  	[tilespmem:s2], [sflag:$0x1] =	stream.strided.gather [hbm4b:s3+s6], $0xFA00, s7, s6, $0x38;
	[tilespmem:$0x10A00] =	vst v63  }
0xc: {  	_ =	swait.ge [sflag:s8], $0xFA00  }
0xd: {  	[sflag:s8] =	ssyncset.done $0x0  }
0xe: {  	s11 =	simm.s32 $0x0;
	[sflag:s8] =	ssyncadd.s32 $0xFFFF0600  }
.LBB2_2:
0xf: {  	p0 =	sne.s32 s11, $0x3F80  }
.Ltmp0:
0x10: {  	_ = 	snop;
	(pc) =	sbr.rel @p0 .LBB2_2-.Ltmp0, $4  }
0x11: {  	_ = 	snop  }
0x12: {  	s12 =	sshra.s32 s11, $0x2  }
0x13: {  	[tilespmem:s12+$0xFA00] =	vst v1  }
0x14: {  	s11 =	sadd.s32 $0x80, s11;
	[tilespmem:s12+$0xFA10] =	vst v1  }
0x15: {  	s11 =	simm.s32 $0x200  }
0x16: {  	v10 =	vld [tilespmem:s11+$0x180]  }
0x17: {  	v11 =	vld [tilespmem:s11+$0xFFFFFE80]  }
0x18: {  	v12 =	vld [tilespmem:s11+$0xFFFFFF00]  }
0x19: {  	v13 =	vld [tilespmem:s11+$0xFFFFFF80]  }
0x1a: {  	v14 =	vld [tilespmem:s11+$0x0]  }
0x1b: {  	v15 =	vld [tilespmem:s11+$0x80];
	v10 =	vadd.s32 v0, v10  }
0x1c: {  	v11 =	vadd.s32 v0, v11  }
0x1d: {  	v12 =	vadd.s32 v0, v12  }
0x1e: {  	v16 =	vld [tilespmem:s11+$0x100];
	v13 =	vadd.s32 v0, v13  }
0x1f: {  	v17 =	vld [tilespmem:s11+$0xFFFFFE00];
	v14 =	vadd.s32 v0, v14  }
0x20: {  	v15 =	vadd.s32 v0, v15;
	[tilespmem:v10+s9+$0x0] =	vst.idx.add.f32.msk $0xffff, v2  }
0x21: {  	[tilespmem:v11+s9+$0x0] =	vst.idx.add.f32.msk $0xffff, v2  }
0x22: {  	[tilespmem:v12+s9+$0x0] =	vst.idx.add.f32.msk $0xffff, v2  }
0x23: {  	[tilespmem:v13+s9+$0x0] =	vst.idx.add.f32.msk $0xffff, v2  }
0x24: {  	[tilespmem:v14+s9+$0x0] =	vst.idx.add.f32.msk $0xffff, v2  }
0x25: {  	s12 =	simm.s32 $0x600;
	s11 =	simm.s32 $0x0;
	v10 =	vadd.s32 v0, v16;
	v11 =	vadd.s32 v0, v17;
	[tilespmem:v15+s9+$0x0] =	vst.idx.add.f32.msk $0xffff, v2  }
.LBB2_4:
0x26: {  	v12 =	vld [tilespmem:s12+$0x180];
	s11 =	sadd.s32 $0x8, s11  }
0x27: {  	v13 =	vld [tilespmem:s12+$0xFFFFFE80];
	p0 =	slt.u32 s11, $0x1E8  }
0x28: {  	v14 =	vld [tilespmem:s12+$0xFFFFFF00]  }
0x29: {  	v15 =	vld [tilespmem:s12+$0xFFFFFF80]  }
0x2a: {  	v16 =	vld [tilespmem:s12+$0x0]  }
0x2b: {  	v17 =	vld [tilespmem:s12+$0x80];
	v12 =	vadd.s32 v0, v12  }
0x2c: {  	v13 =	vadd.s32 v0, v13;
	v18 =	vld [tilespmem:s12+$0x100]  }
0x2d: {  	v19 =	vld [tilespmem:s12+$0xFFFFFE00];
	v14 =	vadd.s32 v0, v14  }
0x2e: {  	v15 =	vadd.s32 v0, v15;
	[tilespmem:v11+s9+$0x0] =	vst.idx.add.f32.msk $0xffff, v2  }
0x2f: {  	v16 =	vadd.s32 v0, v16;
	[tilespmem:v10+s9+$0x0] =	vst.idx.add.f32.msk $0xffff, v2  }
0x30: {  	s13 =	simm.s32 $0x0;
	v17 =	vadd.s32 v0, v17;
	[tilespmem:v12+s9+$0x0] =	vst.idx.add.f32.msk $0xffff, v2  }
.Ltmp1:
0x31: {  	[tilespmem:v13+s9+$0x0] =	vst.idx.add.f32.msk $0xffff, v2;
	v10 =	vadd.s32 v0, v18;
	(pc) =	sbr.rel @p0 .LBB2_4-.Ltmp1, $4  }
0x32: {  	v11 =	vadd.s32 v0, v19;
	[tilespmem:v14+s9+$0x0] =	vst.idx.add.f32.msk $0xffff, v2  }
0x33: {  	[tilespmem:v15+s9+$0x0] =	vst.idx.add.f32.msk $0xffff, v2  }
0x34: {  	[tilespmem:v16+s9+$0x0] =	vst.idx.add.f32.msk $0xffff, v2  }
0x35: {  	s12 =	sadd.s32 $0x400, s12;
	[tilespmem:v17+s9+$0x0] =	vst.idx.add.f32.msk $0xffff, v2  }
0x36: {  	_ =	sdelay $0x3  }
0x37: {  	[tilespmem:v11+s9+$0x0] =	vst.idx.add.f32.msk $0xffff, v2  }
0x38: {  	[tilespmem:v10+s9+$0x0] =	vst.idx.add.f32.msk $0xffff, v2  }
.LBB2_6:
0x39: {  	s11 =	sshra.s32 s13, $0x2  }
0x3a: {  	v10 =	vld [tilespmem:s11+$0xF800];
	_ =	sdelay $0x4  }
0x3b: {  	p0 =	sne.s32 s13, $0x600;
	v10 =	vadd.s32 v0, v10  }
.Ltmp2:
0x3c: {  	_ = 	snop;
	(pc) =	sbr.rel @p0 .LBB2_6-.Ltmp2, $2  }
0x3d: {  	_ =	sdelay $0x2  }
0x3e: {  	s13 =	sadd.s32 $0x200, s13;
	[tilespmem:v10+s9+$0x0] =	vst.idx.add.f32.msk $0xffff, v2  }
0x3f: {  	s11 =	simm.s32 $0x210  }
0x40: {  	v10 =	vld [tilespmem:s11+$0x180]  }
0x41: {  	v11 =	vld [tilespmem:s11+$0xFFFFFE80]  }
0x42: {  	v12 =	vld [tilespmem:s11+$0xFFFFFF00]  }
0x43: {  	v13 =	vld [tilespmem:s11+$0xFFFFFF80]  }
0x44: {  	v14 =	vld [tilespmem:s11+$0x0]  }
0x45: {  	v15 =	vld [tilespmem:s11+$0x80];
	v10 =	vadd.s32 v3, v10  }
0x46: {  	v11 =	vadd.s32 v3, v11  }
0x47: {  	v12 =	vadd.s32 v3, v12  }
0x48: {  	v16 =	vld [tilespmem:s11+$0x100];
	v13 =	vadd.s32 v3, v13  }
0x49: {  	v17 =	vld [tilespmem:s11+$0xFFFFFE00];
	v14 =	vadd.s32 v3, v14  }
0x4a: {  	v15 =	vadd.s32 v3, v15;
	[tilespmem:v10+s9+$0x0] =	vst.idx.add.f32.msk $0xffff, v2  }
0x4b: {  	[tilespmem:v11+s9+$0x0] =	vst.idx.add.f32.msk $0xffff, v2  }
0x4c: {  	[tilespmem:v12+s9+$0x0] =	vst.idx.add.f32.msk $0xffff, v2  }
0x4d: {  	[tilespmem:v13+s9+$0x0] =	vst.idx.add.f32.msk $0xffff, v2  }
0x4e: {  	[tilespmem:v14+s9+$0x0] =	vst.idx.add.f32.msk $0xffff, v2  }
0x4f: {  	s12 =	simm.s32 $0x610;
	s11 =	simm.s32 $0x0;
	v10 =	vadd.s32 v3, v16;
	v11 =	vadd.s32 v3, v17;
	[tilespmem:v15+s9+$0x0] =	vst.idx.add.f32.msk $0xffff, v2  }
.LBB2_8:
0x50: {  	v12 =	vld [tilespmem:s12+$0x180];
	s11 =	sadd.s32 $0x8, s11  }
0x51: {  	v13 =	vld [tilespmem:s12+$0xFFFFFE80];
	p0 =	slt.u32 s11, $0x1E8  }
0x52: {  	v14 =	vld [tilespmem:s12+$0xFFFFFF00]  }
0x53: {  	v15 =	vld [tilespmem:s12+$0xFFFFFF80]  }
0x54: {  	v16 =	vld [tilespmem:s12+$0x0]  }
0x55: {  	v17 =	vld [tilespmem:s12+$0x80];
	v12 =	vadd.s32 v3, v12  }
0x56: {  	v13 =	vadd.s32 v3, v13;
	v18 =	vld [tilespmem:s12+$0x100]  }
0x57: {  	v19 =	vld [tilespmem:s12+$0xFFFFFE00];
	v14 =	vadd.s32 v3, v14  }
0x58: {  	v15 =	vadd.s32 v3, v15;
	[tilespmem:v11+s9+$0x0] =	vst.idx.add.f32.msk $0xffff, v2  }
0x59: {  	v16 =	vadd.s32 v3, v16;
	[tilespmem:v10+s9+$0x0] =	vst.idx.add.f32.msk $0xffff, v2  }
0x5a: {  	s13 =	simm.s32 $0x0;
	v17 =	vadd.s32 v3, v17;
	[tilespmem:v12+s9+$0x0] =	vst.idx.add.f32.msk $0xffff, v2  }
.Ltmp3:
0x5b: {  	[tilespmem:v13+s9+$0x0] =	vst.idx.add.f32.msk $0xffff, v2;
	v10 =	vadd.s32 v3, v18;
	(pc) =	sbr.rel @p0 .LBB2_8-.Ltmp3, $4  }
0x5c: {  	v11 =	vadd.s32 v3, v19;
	[tilespmem:v14+s9+$0x0] =	vst.idx.add.f32.msk $0xffff, v2  }
0x5d: {  	[tilespmem:v15+s9+$0x0] =	vst.idx.add.f32.msk $0xffff, v2  }
0x5e: {  	[tilespmem:v16+s9+$0x0] =	vst.idx.add.f32.msk $0xffff, v2  }
0x5f: {  	s12 =	sadd.s32 $0x400, s12;
	[tilespmem:v17+s9+$0x0] =	vst.idx.add.f32.msk $0xffff, v2  }
0x60: {  	_ =	sdelay $0x3  }
0x61: {  	[tilespmem:v11+s9+$0x0] =	vst.idx.add.f32.msk $0xffff, v2  }
0x62: {  	[tilespmem:v10+s9+$0x0] =	vst.idx.add.f32.msk $0xffff, v2  }
.LBB2_10:
0x63: {  	s11 =	sshra.s32 s13, $0x2  }
0x64: {  	v10 =	vld [tilespmem:s11+$0xF810];
	_ =	sdelay $0x4  }
0x65: {  	p0 =	sne.s32 s13, $0x600;
	v10 =	vadd.s32 v3, v10  }
.Ltmp4:
0x66: {  	_ = 	snop;
	(pc) =	sbr.rel @p0 .LBB2_10-.Ltmp4, $2  }
0x67: {  	_ =	sdelay $0x2  }
0x68: {  	s13 =	sadd.s32 $0x200, s13;
	[tilespmem:v10+s9+$0x0] =	vst.idx.add.f32.msk $0xffff, v2  }
0x69: {  	s11 =	simm.s32 $0x220  }
0x6a: {  	v10 =	vld [tilespmem:s11+$0x180]  }
0x6b: {  	v11 =	vld [tilespmem:s11+$0xFFFFFE80]  }
0x6c: {  	v12 =	vld [tilespmem:s11+$0xFFFFFF00]  }
0x6d: {  	v13 =	vld [tilespmem:s11+$0xFFFFFF80]  }
0x6e: {  	v14 =	vld [tilespmem:s11+$0x0]  }
0x6f: {  	v15 =	vld [tilespmem:s11+$0x80];
	v10 =	vadd.s32 v4, v10  }
0x70: {  	v11 =	vadd.s32 v4, v11  }
0x71: {  	v12 =	vadd.s32 v4, v12  }
0x72: {  	v16 =	vld [tilespmem:s11+$0x100];
	v13 =	vadd.s32 v4, v13  }
0x73: {  	v17 =	vld [tilespmem:s11+$0xFFFFFE00];
	v14 =	vadd.s32 v4, v14  }
0x74: {  	v15 =	vadd.s32 v4, v15;
	[tilespmem:v10+s9+$0x0] =	vst.idx.add.f32.msk $0xffff, v2  }
0x75: {  	[tilespmem:v11+s9+$0x0] =	vst.idx.add.f32.msk $0xffff, v2  }
0x76: {  	[tilespmem:v12+s9+$0x0] =	vst.idx.add.f32.msk $0xffff, v2  }
0x77: {  	[tilespmem:v13+s9+$0x0] =	vst.idx.add.f32.msk $0xffff, v2  }
0x78: {  	[tilespmem:v14+s9+$0x0] =	vst.idx.add.f32.msk $0xffff, v2  }
0x79: {  	s12 =	simm.s32 $0x620;
	s11 =	simm.s32 $0x0;
	v10 =	vadd.s32 v4, v16;
	v11 =	vadd.s32 v4, v17;
	[tilespmem:v15+s9+$0x0] =	vst.idx.add.f32.msk $0xffff, v2  }
.LBB2_12:
0x7a: {  	v12 =	vld [tilespmem:s12+$0x180];
	s11 =	sadd.s32 $0x8, s11  }
0x7b: {  	v13 =	vld [tilespmem:s12+$0xFFFFFE80];
	p0 =	slt.u32 s11, $0x1E8  }
0x7c: {  	v14 =	vld [tilespmem:s12+$0xFFFFFF00]  }
0x7d: {  	v15 =	vld [tilespmem:s12+$0xFFFFFF80]  }
0x7e: {  	v16 =	vld [tilespmem:s12+$0x0]  }
0x7f: {  	v17 =	vld [tilespmem:s12+$0x80];
	v12 =	vadd.s32 v4, v12  }
0x80: {  	v13 =	vadd.s32 v4, v13;
	v18 =	vld [tilespmem:s12+$0x100]  }
0x81: {  	v19 =	vld [tilespmem:s12+$0xFFFFFE00];
	v14 =	vadd.s32 v4, v14  }
0x82: {  	v15 =	vadd.s32 v4, v15;
	[tilespmem:v11+s9+$0x0] =	vst.idx.add.f32.msk $0xffff, v2  }
0x83: {  	v16 =	vadd.s32 v4, v16;
	[tilespmem:v10+s9+$0x0] =	vst.idx.add.f32.msk $0xffff, v2  }
0x84: {  	s13 =	simm.s32 $0x0;
	v17 =	vadd.s32 v4, v17;
	[tilespmem:v12+s9+$0x0] =	vst.idx.add.f32.msk $0xffff, v2  }
.Ltmp5:
0x85: {  	[tilespmem:v13+s9+$0x0] =	vst.idx.add.f32.msk $0xffff, v2;
	v10 =	vadd.s32 v4, v18;
	(pc) =	sbr.rel @p0 .LBB2_12-.Ltmp5, $4  }
0x86: {  	v11 =	vadd.s32 v4, v19;
	[tilespmem:v14+s9+$0x0] =	vst.idx.add.f32.msk $0xffff, v2  }
0x87: {  	[tilespmem:v15+s9+$0x0] =	vst.idx.add.f32.msk $0xffff, v2  }
0x88: {  	[tilespmem:v16+s9+$0x0] =	vst.idx.add.f32.msk $0xffff, v2  }
0x89: {  	s12 =	sadd.s32 $0x400, s12;
	[tilespmem:v17+s9+$0x0] =	vst.idx.add.f32.msk $0xffff, v2  }
0x8a: {  	_ =	sdelay $0x3  }
0x8b: {  	[tilespmem:v11+s9+$0x0] =	vst.idx.add.f32.msk $0xffff, v2  }
0x8c: {  	[tilespmem:v10+s9+$0x0] =	vst.idx.add.f32.msk $0xffff, v2  }
.LBB2_14:
0x8d: {  	s11 =	sshra.s32 s13, $0x2  }
0x8e: {  	v10 =	vld [tilespmem:s11+$0xF820];
	_ =	sdelay $0x4  }
0x8f: {  	p0 =	sne.s32 s13, $0x600;
	v10 =	vadd.s32 v4, v10  }
.Ltmp6:
0x90: {  	_ = 	snop;
	(pc) =	sbr.rel @p0 .LBB2_14-.Ltmp6, $2  }
0x91: {  	_ =	sdelay $0x2  }
0x92: {  	s13 =	sadd.s32 $0x200, s13;
	[tilespmem:v10+s9+$0x0] =	vst.idx.add.f32.msk $0xffff, v2  }
0x93: {  	s11 =	simm.s32 $0x230  }
0x94: {  	v10 =	vld [tilespmem:s11+$0x180]  }
0x95: {  	v11 =	vld [tilespmem:s11+$0xFFFFFE80]  }
0x96: {  	v12 =	vld [tilespmem:s11+$0xFFFFFF00]  }
0x97: {  	v13 =	vld [tilespmem:s11+$0xFFFFFF80]  }
0x98: {  	v14 =	vld [tilespmem:s11+$0x0]  }
0x99: {  	v15 =	vld [tilespmem:s11+$0x80];
	v10 =	vadd.s32 v5, v10  }
0x9a: {  	v11 =	vadd.s32 v5, v11  }
0x9b: {  	v12 =	vadd.s32 v5, v12  }
0x9c: {  	v16 =	vld [tilespmem:s11+$0x100];
	v13 =	vadd.s32 v5, v13  }
0x9d: {  	v17 =	vld [tilespmem:s11+$0xFFFFFE00];
	v14 =	vadd.s32 v5, v14  }
0x9e: {  	v15 =	vadd.s32 v5, v15;
	[tilespmem:v10+s9+$0x0] =	vst.idx.add.f32.msk $0xffff, v2  }
0x9f: {  	[tilespmem:v11+s9+$0x0] =	vst.idx.add.f32.msk $0xffff, v2  }
0xa0: {  	[tilespmem:v12+s9+$0x0] =	vst.idx.add.f32.msk $0xffff, v2  }
0xa1: {  	[tilespmem:v13+s9+$0x0] =	vst.idx.add.f32.msk $0xffff, v2  }
0xa2: {  	[tilespmem:v14+s9+$0x0] =	vst.idx.add.f32.msk $0xffff, v2  }
0xa3: {  	s12 =	simm.s32 $0x630;
	s11 =	simm.s32 $0x0;
	v10 =	vadd.s32 v5, v16;
	v11 =	vadd.s32 v5, v17;
	[tilespmem:v15+s9+$0x0] =	vst.idx.add.f32.msk $0xffff, v2  }
.LBB2_16:
0xa4: {  	v12 =	vld [tilespmem:s12+$0x180];
	s11 =	sadd.s32 $0x8, s11  }
0xa5: {  	v13 =	vld [tilespmem:s12+$0xFFFFFE80];
	p0 =	slt.u32 s11, $0x1E8  }
0xa6: {  	v14 =	vld [tilespmem:s12+$0xFFFFFF00]  }
0xa7: {  	v15 =	vld [tilespmem:s12+$0xFFFFFF80]  }
0xa8: {  	v16 =	vld [tilespmem:s12+$0x0]  }
0xa9: {  	v17 =	vld [tilespmem:s12+$0x80];
	v12 =	vadd.s32 v5, v12  }
0xaa: {  	v13 =	vadd.s32 v5, v13;
	v18 =	vld [tilespmem:s12+$0x100]  }
0xab: {  	v19 =	vld [tilespmem:s12+$0xFFFFFE00];
	v14 =	vadd.s32 v5, v14  }
0xac: {  	v15 =	vadd.s32 v5, v15;
	[tilespmem:v11+s9+$0x0] =	vst.idx.add.f32.msk $0xffff, v2  }
0xad: {  	v16 =	vadd.s32 v5, v16;
	[tilespmem:v10+s9+$0x0] =	vst.idx.add.f32.msk $0xffff, v2  }
0xae: {  	s13 =	simm.s32 $0x0;
	v17 =	vadd.s32 v5, v17;
	[tilespmem:v12+s9+$0x0] =	vst.idx.add.f32.msk $0xffff, v2  }
.Ltmp7:
0xaf: {  	[tilespmem:v13+s9+$0x0] =	vst.idx.add.f32.msk $0xffff, v2;
	v10 =	vadd.s32 v5, v18;
	(pc) =	sbr.rel @p0 .LBB2_16-.Ltmp7, $4  }
0xb0: {  	v11 =	vadd.s32 v5, v19;
	[tilespmem:v14+s9+$0x0] =	vst.idx.add.f32.msk $0xffff, v2  }
0xb1: {  	[tilespmem:v15+s9+$0x0] =	vst.idx.add.f32.msk $0xffff, v2  }
0xb2: {  	[tilespmem:v16+s9+$0x0] =	vst.idx.add.f32.msk $0xffff, v2  }
0xb3: {  	s12 =	sadd.s32 $0x400, s12;
	[tilespmem:v17+s9+$0x0] =	vst.idx.add.f32.msk $0xffff, v2  }
0xb4: {  	_ =	sdelay $0x3  }
0xb5: {  	[tilespmem:v11+s9+$0x0] =	vst.idx.add.f32.msk $0xffff, v2  }
0xb6: {  	[tilespmem:v10+s9+$0x0] =	vst.idx.add.f32.msk $0xffff, v2  }
.LBB2_18:
0xb7: {  	s11 =	sshra.s32 s13, $0x2  }
0xb8: {  	v10 =	vld [tilespmem:s11+$0xF830];
	_ =	sdelay $0x4  }
0xb9: {  	p0 =	sne.s32 s13, $0x600;
	v10 =	vadd.s32 v5, v10  }
.Ltmp8:
0xba: {  	_ = 	snop;
	(pc) =	sbr.rel @p0 .LBB2_18-.Ltmp8, $2  }
0xbb: {  	_ =	sdelay $0x2  }
0xbc: {  	s13 =	sadd.s32 $0x200, s13;
	[tilespmem:v10+s9+$0x0] =	vst.idx.add.f32.msk $0xffff, v2  }
0xbd: {  	s11 =	simm.s32 $0x240  }
0xbe: {  	v10 =	vld [tilespmem:s11+$0x180]  }
0xbf: {  	v11 =	vld [tilespmem:s11+$0xFFFFFE80]  }
0xc0: {  	v12 =	vld [tilespmem:s11+$0xFFFFFF00]  }
0xc1: {  	v13 =	vld [tilespmem:s11+$0xFFFFFF80]  }
0xc2: {  	v14 =	vld [tilespmem:s11+$0x0]  }
0xc3: {  	v15 =	vld [tilespmem:s11+$0x80];
	v10 =	vadd.s32 v6, v10  }
0xc4: {  	v11 =	vadd.s32 v6, v11  }
0xc5: {  	v12 =	vadd.s32 v6, v12  }
0xc6: {  	v16 =	vld [tilespmem:s11+$0x100];
	v13 =	vadd.s32 v6, v13  }
0xc7: {  	v17 =	vld [tilespmem:s11+$0xFFFFFE00];
	v14 =	vadd.s32 v6, v14  }
0xc8: {  	v15 =	vadd.s32 v6, v15;
	[tilespmem:v10+s9+$0x0] =	vst.idx.add.f32.msk $0xffff, v2  }
0xc9: {  	[tilespmem:v11+s9+$0x0] =	vst.idx.add.f32.msk $0xffff, v2  }
0xca: {  	[tilespmem:v12+s9+$0x0] =	vst.idx.add.f32.msk $0xffff, v2  }
0xcb: {  	[tilespmem:v13+s9+$0x0] =	vst.idx.add.f32.msk $0xffff, v2  }
0xcc: {  	[tilespmem:v14+s9+$0x0] =	vst.idx.add.f32.msk $0xffff, v2  }
0xcd: {  	s12 =	simm.s32 $0x640;
	s11 =	simm.s32 $0x0;
	v10 =	vadd.s32 v6, v16;
	v11 =	vadd.s32 v6, v17;
	[tilespmem:v15+s9+$0x0] =	vst.idx.add.f32.msk $0xffff, v2  }
.LBB2_20:
0xce: {  	v12 =	vld [tilespmem:s12+$0x180];
	s11 =	sadd.s32 $0x8, s11  }
0xcf: {  	v13 =	vld [tilespmem:s12+$0xFFFFFE80];
	p0 =	slt.u32 s11, $0x1E8  }
0xd0: {  	v14 =	vld [tilespmem:s12+$0xFFFFFF00]  }
0xd1: {  	v15 =	vld [tilespmem:s12+$0xFFFFFF80]  }
0xd2: {  	v16 =	vld [tilespmem:s12+$0x0]  }
0xd3: {  	v17 =	vld [tilespmem:s12+$0x80];
	v12 =	vadd.s32 v6, v12  }
0xd4: {  	v13 =	vadd.s32 v6, v13;
	v18 =	vld [tilespmem:s12+$0x100]  }
0xd5: {  	v19 =	vld [tilespmem:s12+$0xFFFFFE00];
	v14 =	vadd.s32 v6, v14  }
0xd6: {  	v15 =	vadd.s32 v6, v15;
	[tilespmem:v11+s9+$0x0] =	vst.idx.add.f32.msk $0xffff, v2  }
0xd7: {  	v16 =	vadd.s32 v6, v16;
	[tilespmem:v10+s9+$0x0] =	vst.idx.add.f32.msk $0xffff, v2  }
0xd8: {  	s13 =	simm.s32 $0x0;
	v17 =	vadd.s32 v6, v17;
	[tilespmem:v12+s9+$0x0] =	vst.idx.add.f32.msk $0xffff, v2  }
.Ltmp9:
0xd9: {  	[tilespmem:v13+s9+$0x0] =	vst.idx.add.f32.msk $0xffff, v2;
	v10 =	vadd.s32 v6, v18;
	(pc) =	sbr.rel @p0 .LBB2_20-.Ltmp9, $4  }
0xda: {  	v11 =	vadd.s32 v6, v19;
	[tilespmem:v14+s9+$0x0] =	vst.idx.add.f32.msk $0xffff, v2  }
0xdb: {  	[tilespmem:v15+s9+$0x0] =	vst.idx.add.f32.msk $0xffff, v2  }
0xdc: {  	[tilespmem:v16+s9+$0x0] =	vst.idx.add.f32.msk $0xffff, v2  }
0xdd: {  	s12 =	sadd.s32 $0x400, s12;
	[tilespmem:v17+s9+$0x0] =	vst.idx.add.f32.msk $0xffff, v2  }
0xde: {  	_ =	sdelay $0x3  }
0xdf: {  	[tilespmem:v11+s9+$0x0] =	vst.idx.add.f32.msk $0xffff, v2  }
0xe0: {  	[tilespmem:v10+s9+$0x0] =	vst.idx.add.f32.msk $0xffff, v2  }
.LBB2_22:
0xe1: {  	s11 =	sshra.s32 s13, $0x2  }
0xe2: {  	v10 =	vld [tilespmem:s11+$0xF840];
	_ =	sdelay $0x4  }
0xe3: {  	p0 =	sne.s32 s13, $0x600;
	v10 =	vadd.s32 v6, v10  }
.Ltmp10:
0xe4: {  	_ = 	snop;
	(pc) =	sbr.rel @p0 .LBB2_22-.Ltmp10, $2  }
0xe5: {  	_ =	sdelay $0x2  }
0xe6: {  	s13 =	sadd.s32 $0x200, s13;
	[tilespmem:v10+s9+$0x0] =	vst.idx.add.f32.msk $0xffff, v2  }
0xe7: {  	s11 =	simm.s32 $0x250  }
0xe8: {  	v10 =	vld [tilespmem:s11+$0x180]  }
0xe9: {  	v11 =	vld [tilespmem:s11+$0xFFFFFE80]  }
0xea: {  	v12 =	vld [tilespmem:s11+$0xFFFFFF00]  }
0xeb: {  	v13 =	vld [tilespmem:s11+$0xFFFFFF80]  }
0xec: {  	v14 =	vld [tilespmem:s11+$0x0]  }
0xed: {  	v15 =	vld [tilespmem:s11+$0x80];
	v10 =	vadd.s32 v7, v10  }
0xee: {  	v11 =	vadd.s32 v7, v11  }
0xef: {  	v12 =	vadd.s32 v7, v12  }
0xf0: {  	v16 =	vld [tilespmem:s11+$0x100];
	v13 =	vadd.s32 v7, v13  }
0xf1: {  	v17 =	vld [tilespmem:s11+$0xFFFFFE00];
	v14 =	vadd.s32 v7, v14  }
0xf2: {  	v15 =	vadd.s32 v7, v15;
	[tilespmem:v10+s9+$0x0] =	vst.idx.add.f32.msk $0xffff, v2  }
0xf3: {  	[tilespmem:v11+s9+$0x0] =	vst.idx.add.f32.msk $0xffff, v2  }
0xf4: {  	[tilespmem:v12+s9+$0x0] =	vst.idx.add.f32.msk $0xffff, v2  }
0xf5: {  	[tilespmem:v13+s9+$0x0] =	vst.idx.add.f32.msk $0xffff, v2  }
0xf6: {  	[tilespmem:v14+s9+$0x0] =	vst.idx.add.f32.msk $0xffff, v2  }
0xf7: {  	s12 =	simm.s32 $0x650;
	s11 =	simm.s32 $0x0;
	v10 =	vadd.s32 v7, v16;
	v11 =	vadd.s32 v7, v17;
	[tilespmem:v15+s9+$0x0] =	vst.idx.add.f32.msk $0xffff, v2  }
.LBB2_24:
0xf8: {  	v12 =	vld [tilespmem:s12+$0x180];
	s11 =	sadd.s32 $0x8, s11  }
0xf9: {  	v13 =	vld [tilespmem:s12+$0xFFFFFE80];
	p0 =	slt.u32 s11, $0x1E8  }
0xfa: {  	v14 =	vld [tilespmem:s12+$0xFFFFFF00]  }
0xfb: {  	v15 =	vld [tilespmem:s12+$0xFFFFFF80]  }
0xfc: {  	v16 =	vld [tilespmem:s12+$0x0]  }
0xfd: {  	v17 =	vld [tilespmem:s12+$0x80];
	v12 =	vadd.s32 v7, v12  }
0xfe: {  	v13 =	vadd.s32 v7, v13;
	v18 =	vld [tilespmem:s12+$0x100]  }
0xff: {  	v19 =	vld [tilespmem:s12+$0xFFFFFE00];
	v14 =	vadd.s32 v7, v14  }
0x100: {  	v15 =	vadd.s32 v7, v15;
	[tilespmem:v11+s9+$0x0] =	vst.idx.add.f32.msk $0xffff, v2  }
0x101: {  	v16 =	vadd.s32 v7, v16;
	[tilespmem:v10+s9+$0x0] =	vst.idx.add.f32.msk $0xffff, v2  }
0x102: {  	s13 =	simm.s32 $0x0;
	v17 =	vadd.s32 v7, v17;
	[tilespmem:v12+s9+$0x0] =	vst.idx.add.f32.msk $0xffff, v2  }
.Ltmp11:
0x103: {  	[tilespmem:v13+s9+$0x0] =	vst.idx.add.f32.msk $0xffff, v2;
	v10 =	vadd.s32 v7, v18;
	(pc) =	sbr.rel @p0 .LBB2_24-.Ltmp11, $4  }
0x104: {  	v11 =	vadd.s32 v7, v19;
	[tilespmem:v14+s9+$0x0] =	vst.idx.add.f32.msk $0xffff, v2  }
0x105: {  	[tilespmem:v15+s9+$0x0] =	vst.idx.add.f32.msk $0xffff, v2  }
0x106: {  	[tilespmem:v16+s9+$0x0] =	vst.idx.add.f32.msk $0xffff, v2  }
0x107: {  	s12 =	sadd.s32 $0x400, s12;
	[tilespmem:v17+s9+$0x0] =	vst.idx.add.f32.msk $0xffff, v2  }
0x108: {  	_ =	sdelay $0x3  }
0x109: {  	[tilespmem:v11+s9+$0x0] =	vst.idx.add.f32.msk $0xffff, v2  }
0x10a: {  	[tilespmem:v10+s9+$0x0] =	vst.idx.add.f32.msk $0xffff, v2  }
.LBB2_26:
0x10b: {  	s11 =	sshra.s32 s13, $0x2  }
0x10c: {  	v10 =	vld [tilespmem:s11+$0xF850];
	_ =	sdelay $0x4  }
0x10d: {  	p0 =	sne.s32 s13, $0x600;
	v10 =	vadd.s32 v7, v10  }
.Ltmp12:
0x10e: {  	_ = 	snop;
	(pc) =	sbr.rel @p0 .LBB2_26-.Ltmp12, $2  }
0x10f: {  	_ =	sdelay $0x2  }
0x110: {  	s13 =	sadd.s32 $0x200, s13;
	[tilespmem:v10+s9+$0x0] =	vst.idx.add.f32.msk $0xffff, v2  }
0x111: {  	s11 =	simm.s32 $0x260  }
0x112: {  	v10 =	vld [tilespmem:s11+$0x180]  }
0x113: {  	v11 =	vld [tilespmem:s11+$0xFFFFFE80]  }
0x114: {  	v12 =	vld [tilespmem:s11+$0xFFFFFF00]  }
0x115: {  	v13 =	vld [tilespmem:s11+$0xFFFFFF80]  }
0x116: {  	v14 =	vld [tilespmem:s11+$0x0]  }
0x117: {  	v15 =	vld [tilespmem:s11+$0x80];
	v10 =	vadd.s32 v8, v10  }
0x118: {  	v11 =	vadd.s32 v8, v11  }
0x119: {  	v12 =	vadd.s32 v8, v12  }
0x11a: {  	v16 =	vld [tilespmem:s11+$0x100];
	v13 =	vadd.s32 v8, v13  }
0x11b: {  	v17 =	vld [tilespmem:s11+$0xFFFFFE00];
	v14 =	vadd.s32 v8, v14  }
0x11c: {  	v15 =	vadd.s32 v8, v15;
	[tilespmem:v10+s9+$0x0] =	vst.idx.add.f32.msk $0xffff, v2  }
0x11d: {  	[tilespmem:v11+s9+$0x0] =	vst.idx.add.f32.msk $0xffff, v2  }
0x11e: {  	[tilespmem:v12+s9+$0x0] =	vst.idx.add.f32.msk $0xffff, v2  }
0x11f: {  	[tilespmem:v13+s9+$0x0] =	vst.idx.add.f32.msk $0xffff, v2  }
0x120: {  	[tilespmem:v14+s9+$0x0] =	vst.idx.add.f32.msk $0xffff, v2  }
0x121: {  	s12 =	simm.s32 $0x660;
	s11 =	simm.s32 $0x0;
	v10 =	vadd.s32 v8, v16;
	v11 =	vadd.s32 v8, v17;
	[tilespmem:v15+s9+$0x0] =	vst.idx.add.f32.msk $0xffff, v2  }
.LBB2_28:
0x122: {  	v12 =	vld [tilespmem:s12+$0x180];
	s11 =	sadd.s32 $0x8, s11  }
0x123: {  	v13 =	vld [tilespmem:s12+$0xFFFFFE80];
	p0 =	slt.u32 s11, $0x1E8  }
0x124: {  	v14 =	vld [tilespmem:s12+$0xFFFFFF00]  }
0x125: {  	v15 =	vld [tilespmem:s12+$0xFFFFFF80]  }
0x126: {  	v16 =	vld [tilespmem:s12+$0x0]  }
0x127: {  	v17 =	vld [tilespmem:s12+$0x80];
	v12 =	vadd.s32 v8, v12  }
0x128: {  	v13 =	vadd.s32 v8, v13;
	v18 =	vld [tilespmem:s12+$0x100]  }
0x129: {  	v19 =	vld [tilespmem:s12+$0xFFFFFE00];
	v14 =	vadd.s32 v8, v14  }
0x12a: {  	v15 =	vadd.s32 v8, v15;
	[tilespmem:v11+s9+$0x0] =	vst.idx.add.f32.msk $0xffff, v2  }
0x12b: {  	v16 =	vadd.s32 v8, v16;
	[tilespmem:v10+s9+$0x0] =	vst.idx.add.f32.msk $0xffff, v2  }
0x12c: {  	s13 =	simm.s32 $0x0;
	v17 =	vadd.s32 v8, v17;
	[tilespmem:v12+s9+$0x0] =	vst.idx.add.f32.msk $0xffff, v2  }
.Ltmp13:
0x12d: {  	[tilespmem:v13+s9+$0x0] =	vst.idx.add.f32.msk $0xffff, v2;
	v10 =	vadd.s32 v8, v18;
	(pc) =	sbr.rel @p0 .LBB2_28-.Ltmp13, $4  }
0x12e: {  	v11 =	vadd.s32 v8, v19;
	[tilespmem:v14+s9+$0x0] =	vst.idx.add.f32.msk $0xffff, v2  }
0x12f: {  	[tilespmem:v15+s9+$0x0] =	vst.idx.add.f32.msk $0xffff, v2  }
0x130: {  	[tilespmem:v16+s9+$0x0] =	vst.idx.add.f32.msk $0xffff, v2  }
0x131: {  	s12 =	sadd.s32 $0x400, s12;
	[tilespmem:v17+s9+$0x0] =	vst.idx.add.f32.msk $0xffff, v2  }
0x132: {  	_ =	sdelay $0x3  }
0x133: {  	[tilespmem:v11+s9+$0x0] =	vst.idx.add.f32.msk $0xffff, v2  }
0x134: {  	[tilespmem:v10+s9+$0x0] =	vst.idx.add.f32.msk $0xffff, v2  }
.LBB2_30:
0x135: {  	s11 =	sshra.s32 s13, $0x2  }
0x136: {  	v10 =	vld [tilespmem:s11+$0xF860];
	_ =	sdelay $0x4  }
0x137: {  	p0 =	sne.s32 s13, $0x600;
	v10 =	vadd.s32 v8, v10  }
.Ltmp14:
0x138: {  	_ = 	snop;
	(pc) =	sbr.rel @p0 .LBB2_30-.Ltmp14, $2  }
0x139: {  	_ =	sdelay $0x2  }
0x13a: {  	s13 =	sadd.s32 $0x200, s13;
	[tilespmem:v10+s9+$0x0] =	vst.idx.add.f32.msk $0xffff, v2  }
0x13b: {  	s11 =	simm.s32 $0x270  }
0x13c: {  	v10 =	vld [tilespmem:s11+$0x180]  }
0x13d: {  	v11 =	vld [tilespmem:s11+$0xFFFFFE80]  }
0x13e: {  	v12 =	vld [tilespmem:s11+$0xFFFFFF00]  }
0x13f: {  	v13 =	vld [tilespmem:s11+$0xFFFFFF80]  }
0x140: {  	v14 =	vld [tilespmem:s11+$0x0]  }
0x141: {  	v15 =	vld [tilespmem:s11+$0x80];
	v10 =	vadd.s32 v9, v10  }
0x142: {  	v11 =	vadd.s32 v9, v11  }
0x143: {  	v12 =	vadd.s32 v9, v12  }
0x144: {  	v16 =	vld [tilespmem:s11+$0x100];
	v13 =	vadd.s32 v9, v13  }
0x145: {  	v17 =	vld [tilespmem:s11+$0xFFFFFE00];
	v14 =	vadd.s32 v9, v14  }
0x146: {  	v15 =	vadd.s32 v9, v15;
	[tilespmem:v10+s9+$0x0] =	vst.idx.add.f32.msk $0xffff, v2  }
0x147: {  	[tilespmem:v11+s9+$0x0] =	vst.idx.add.f32.msk $0xffff, v2  }
0x148: {  	[tilespmem:v12+s9+$0x0] =	vst.idx.add.f32.msk $0xffff, v2  }
0x149: {  	[tilespmem:v13+s9+$0x0] =	vst.idx.add.f32.msk $0xffff, v2  }
0x14a: {  	[tilespmem:v14+s9+$0x0] =	vst.idx.add.f32.msk $0xffff, v2  }
0x14b: {  	s12 =	simm.s32 $0x670;
	s11 =	simm.s32 $0x0;
	v10 =	vadd.s32 v9, v16;
	v11 =	vadd.s32 v9, v17;
	[tilespmem:v15+s9+$0x0] =	vst.idx.add.f32.msk $0xffff, v2  }
.LBB2_32:
0x14c: {  	v12 =	vld [tilespmem:s12+$0x180];
	s11 =	sadd.s32 $0x8, s11  }
0x14d: {  	v13 =	vld [tilespmem:s12+$0xFFFFFE80];
	p0 =	slt.u32 s11, $0x1E8  }
0x14e: {  	v14 =	vld [tilespmem:s12+$0xFFFFFF00]  }
0x14f: {  	v15 =	vld [tilespmem:s12+$0xFFFFFF80]  }
0x150: {  	v16 =	vld [tilespmem:s12+$0x0]  }
0x151: {  	v17 =	vld [tilespmem:s12+$0x80];
	v12 =	vadd.s32 v9, v12  }
0x152: {  	v13 =	vadd.s32 v9, v13;
	v18 =	vld [tilespmem:s12+$0x100]  }
0x153: {  	v19 =	vld [tilespmem:s12+$0xFFFFFE00];
	v14 =	vadd.s32 v9, v14  }
0x154: {  	v15 =	vadd.s32 v9, v15;
	[tilespmem:v11+s9+$0x0] =	vst.idx.add.f32.msk $0xffff, v2  }
0x155: {  	v16 =	vadd.s32 v9, v16;
	[tilespmem:v10+s9+$0x0] =	vst.idx.add.f32.msk $0xffff, v2  }
0x156: {  	s13 =	simm.s32 $0x0;
	v17 =	vadd.s32 v9, v17;
	[tilespmem:v12+s9+$0x0] =	vst.idx.add.f32.msk $0xffff, v2  }
.Ltmp15:
0x157: {  	[tilespmem:v13+s9+$0x0] =	vst.idx.add.f32.msk $0xffff, v2;
	v10 =	vadd.s32 v9, v18;
	(pc) =	sbr.rel @p0 .LBB2_32-.Ltmp15, $4  }
0x158: {  	v11 =	vadd.s32 v9, v19;
	[tilespmem:v14+s9+$0x0] =	vst.idx.add.f32.msk $0xffff, v2  }
0x159: {  	[tilespmem:v15+s9+$0x0] =	vst.idx.add.f32.msk $0xffff, v2  }
0x15a: {  	[tilespmem:v16+s9+$0x0] =	vst.idx.add.f32.msk $0xffff, v2  }
0x15b: {  	s12 =	sadd.s32 $0x400, s12;
	[tilespmem:v17+s9+$0x0] =	vst.idx.add.f32.msk $0xffff, v2  }
0x15c: {  	_ =	sdelay $0x3  }
0x15d: {  	[tilespmem:v11+s9+$0x0] =	vst.idx.add.f32.msk $0xffff, v2  }
0x15e: {  	[tilespmem:v10+s9+$0x0] =	vst.idx.add.f32.msk $0xffff, v2  }
.LBB2_34:
0x15f: {  	s11 =	sshra.s32 s13, $0x2  }
0x160: {  	v10 =	vld [tilespmem:s11+$0xF870];
	_ =	sdelay $0x4  }
0x161: {  	p0 =	sne.s32 s13, $0x600;
	v10 =	vadd.s32 v9, v10  }
.Ltmp16:
0x162: {  	_ = 	snop;
	(pc) =	sbr.rel @p0 .LBB2_34-.Ltmp16, $2  }
0x163: {  	_ =	sdelay $0x2  }
0x164: {  	s13 =	sadd.s32 $0x200, s13;
	[tilespmem:v10+s9+$0x0] =	vst.idx.add.f32.msk $0xffff, v2  }
0x165: {  	s10 =	sadd.s32 $0x1, s10  }
0x166: {  	p0 =	sne.s32 s10, s5  }
.Ltmp17:
0x167: {  	_ = 	snop;
	(pc) =	sbr.rel @p0 .LBB2_1-.Ltmp17, $4  }
0x168: {  	[hbm4b:s4+s2] =	stream.linear.scatter [tilespmem:s9], [sflag:$0x1], $0x1000, $0x38;
	[tilespmem:$0x10A00] =	vst v63  }
0x169: {  	_ =	swait.ge [sflag:s8], $0x1000  }
0x16a: {  	[sflag:s8] =	ssyncset.done $0x0  }
0x16b: {  	[sflag:s8] =	ssyncadd.s32 $0xFFFFF000  }
0x16c: {  	_ =	sfence.sel $0x180000  }
0x16d: {  	[bflag:$0x0] =	sbarrier.arrive $0xFFFF  }
0x16e: {  	p0 =	sne.s32 s1, $0x0;
	_ =	strace $0x90000047  }
0x16f: {  	s0 =	sadd.s32 @!p0 $0x100000, s0;
	[bflag:$0x2] =	sbarrier.arrive $0xFFFF  }
0x170: {  	[sflag:s0] =	ssyncadd.tile.s32 @!p0 $0x1;
	_ =	shalt  }
.Lfunc_end2:
_tile_overlayer_lowered:
.L_overlay_start_2:
0x171: {  	(tag) =	ssettag $0x2  }
0x172: {  	s0 =	rddreg [dreg:$0x0];
	s2 =	stileid.u32  }
0x173: {  	s1 =	rddreg [dreg:$0x1];
	p0 =	sne.s32 s2, $0x0  }
0x174: {  	s3 =	rddreg [dreg:$0x2];
	[bflag:$0x3] =	sbarrier.arrive $0xFFFF;
	s2 =	simm.s32 @!p0 $0x1C01  }
0x175: {  	[timem:s3], [sflag:s2] =	dma.local @!p0 [hbm:s0], s1  }
0x176: {  	s0 =	simm.s32 @!p0 $0x1  }
0x177: {  	_ =	swait.ge @!p0 [sflag:s0], s1  }
0x178: {  	s1 =	ssub.s32 @!p0 $0x0, s1;
	[sflag:s0] =	ssyncset.done @!p0 $0x0  }
0x179: {  	[sflag:s0] =	ssyncadd.s32 @!p0 s1  }
0x17a: {  	[bflag:$0x3] =	sbarrier.arrive $0xFFFF  }
0x17b: {  	_ =	shalt  }

</sc_bundles>
